<compile_context>
chip_gen: v7x
topology: tpu7x:2x2x1
jax: 0.10.2.dev20260603
libtpu: 0.0.44.dev20260713+nightly
codegen_flags: <defaults>
</compile_context>

<pallas_src>
import functools

import jax
import jax.numpy as jnp
from jax import lax
from jax.experimental import pallas as pl
from jax.experimental.pallas import tpu as pltpu
from jax.experimental.pallas import tpu_sc as plsc

_VOCAB = 20000
_D = 768
_BM = 800


def _mlp_body(x_ref, w1_ref, b1_ref, w2_ref, b2_ref, y_ref):
    x = x_ref[...]
    h = jnp.maximum(
        jnp.dot(x, w1_ref[...], preferred_element_type=jnp.float32) + b1_ref[...],
        0.0,
    )
    y_ref[...] = (
        jnp.dot(h, w2_ref[...], preferred_element_type=jnp.float32) + b2_ref[...]
    )


def _vocab_mlp(table, W1, b1, W2, b2):
    return pl.pallas_call(
        _mlp_body,
        grid=(_VOCAB // _BM,),
        in_specs=[
            pl.BlockSpec((_BM, _D), lambda i: (i, 0)),
            pl.BlockSpec((_D, _D), lambda i: (0, 0)),
            pl.BlockSpec((1, _D), lambda i: (0, 0)),
            pl.BlockSpec((_D, _D), lambda i: (0, 0)),
            pl.BlockSpec((1, _D), lambda i: (0, 0)),
        ],
        out_specs=pl.BlockSpec((_BM, _D), lambda i: (i, 0)),
        out_shape=jax.ShapeDtypeStruct((_VOCAB, _D), jnp.float32),
    )(table, W1, b1.reshape(1, _D), W2, b2.reshape(1, _D))


def _make_gather(n_tok):
    info = plsc.get_sparse_core_info()
    nc, ns = info.num_cores, info.num_subcores
    nw = nc * ns
    assert n_tok % nw == 0
    b_per_w = n_tok // nw
    chunk = 64
    assert b_per_w % (2 * chunk) == 0
    n_chunks = b_per_w // chunk
    n_pairs = n_chunks // 2
    mesh = plsc.VectorSubcoreMesh(core_axis_name="c", subcore_axis_name="s")

    @functools.partial(
        pl.kernel,
        mesh=mesh,
        out_type=jax.ShapeDtypeStruct((n_tok, _D), jnp.float32),
        scratch_types=[
            pltpu.VMEM((n_chunks, chunk), jnp.int32),
            pltpu.VMEM((chunk, _D), jnp.float32),
            pltpu.VMEM((chunk, _D), jnp.float32),
            pltpu.SemaphoreType.DMA,
            pltpu.SemaphoreType.DMA,
            pltpu.SemaphoreType.DMA,
            pltpu.SemaphoreType.DMA,
        ],
    )
    def gather_k(y_hbm, idx_hbm, out_hbm, idx_all, rows0, rows1, gs0, gs1, ss0, ss1):
        wid = lax.axis_index("s") * nc + lax.axis_index("c")
        base = wid * b_per_w
        pltpu.sync_copy(idx_hbm.at[wid], idx_all)
        pltpu.async_copy(y_hbm.at[idx_all.at[0]], rows0, gs0)

        def out_at(c):
            return out_hbm.at[pl.ds(base + c * chunk, chunk)]

        def body(g, carry):
            c0 = 2 * g
            c1 = c0 + 1

            @pl.when(g > 0)
            def _():
                pltpu.make_async_copy(rows1, out_at(c1), ss1).wait()

            pltpu.async_copy(y_hbm.at[idx_all.at[c1]], rows1, gs1)
            pltpu.make_async_copy(y_hbm.at[idx_all.at[c0]], rows0, gs0).wait()
            pltpu.async_copy(rows0, out_at(c0), ss0)

            @pl.when(g < n_pairs - 1)
            def _():
                pltpu.make_async_copy(rows0, out_at(c0), ss0).wait()
                pltpu.async_copy(y_hbm.at[idx_all.at[c0 + 2]], rows0, gs0)

            pltpu.make_async_copy(y_hbm.at[idx_all.at[c1]], rows1, gs1).wait()
            pltpu.async_copy(rows1, out_at(c1), ss1)
            return carry

        lax.fori_loop(0, n_pairs, body, 0)
        pltpu.make_async_copy(rows0, out_at(n_chunks - 2), ss0).wait()
        pltpu.make_async_copy(rows1, out_at(n_chunks - 1), ss1).wait()

    return gather_k, n_chunks, chunk


def kernel(input_ids, table, W1, b1, W2, b2):
    bsz, seq = input_ids.shape
    y = _vocab_mlp(table, W1, b1, W2, b2)
    gather_k, n_chunks, chunk = _make_gather(bsz * seq)
    ids = input_ids.reshape(-1, n_chunks, chunk).astype(jnp.int32)
    out_flat = gather_k(y, ids)
    return out_flat.reshape(bsz, seq, _D)

# --- scband reference (transcript-rebuilt; emitter-appended) ---
"""Pipeline reference for scband-my-model-61933428416246 (READ-ONLY COPY).

The authoritative reference and input builder live on the scoring server;
editing this copy changes nothing except your own understanding.
"""

import jax, jax.numpy as jnp
import numpy as np

VOCAB = 20000
D = 768

def setup_inputs(seed: int = 0) -> dict:
    key = jax.random.key(seed)
    k_ids, k_emb, k_w1, k_b1, k_w2, k_b2 = jax.random.split(key, 6)
    input_ids = jax.random.randint(k_ids, (1024, 200), 0, VOCAB, dtype=jnp.int64 if jax.config.jax_enable_x64 else jnp.int32)
    table = jax.random.normal(k_emb, (VOCAB, D), dtype=jnp.float32)
    W1 = jax.random.normal(k_w1, (D, D), dtype=jnp.float32) * (1.0 / np.sqrt(D))
    b1 = jax.random.normal(k_b1, (D,), dtype=jnp.float32) * 0.01
    W2 = jax.random.normal(k_w2, (D, D), dtype=jnp.float32) * (1.0 / np.sqrt(D))
    b2 = jax.random.normal(k_b2, (D,), dtype=jnp.float32) * 0.01
    return {"input_ids": input_ids, "table": table, "W1": W1, "b1": b1, "W2": W2, "b2": b2}

def reference(input_ids, table, W1, b1, W2, b2):
    # embedding lookup (gather)
    x = jnp.take(table, input_ids, axis=0)  # [B, L, D]
    # transformer_layer: Linear -> ReLU -> Linear
    h = jnp.maximum(x @ W1 + b1, 0.0)
    out = h @ W2 + b2
    return out

if __name__ == "__main__":
    import jax
    _d = setup_inputs()
    print(jax.jit(kernel)(*tuple(_d.values())))

</pallas_src>

<mosaic_0001>
#map = affine_map<(d0, d1) -> (0, 0)>
#map1 = affine_map<(d0, d1) -> (0, 0, 0)>
module attributes {stable_mosaic.version = 14 : i64} {
  func.func @gather_k(%arg0: i32, %arg1: i32, %arg2: memref<20000x768xf32, #tpu.memory_space<hbm>>, %arg3: memref<32x100x64xi32, #tpu.memory_space<hbm>>, %arg4: memref<204800x768xf32, #tpu.memory_space<hbm>>, %arg5: memref<100x64xi32, #tpu.memory_space<vmem>>, %arg6: memref<64x768xf32, #tpu.memory_space<vmem>>, %arg7: memref<64x768xf32, #tpu.memory_space<vmem>>, %arg8: memref<!tpu.dma_semaphore, #tpu.memory_space<semaphore_mem>>, %arg9: memref<!tpu.dma_semaphore, #tpu.memory_space<semaphore_mem>>, %arg10: memref<!tpu.dma_semaphore, #tpu.memory_space<semaphore_mem>>, %arg11: memref<!tpu.dma_semaphore, #tpu.memory_space<semaphore_mem>>) attributes {dimension_semantics = [#tpu.dimension_semantics<core_parallel>, #tpu.dimension_semantics<subcore_parallel>], iteration_bounds = array<i64: 2, 16>, scalar_prefetch = 0 : i64, scratch_operands = 7 : i64, tpu.core_type = #tpu.core_type<sc_vector_subcore>, window_params = [{transform_indices = #map}, {transform_indices = #map1}, {transform_indices = #map}]} {
    %mul3A = arith.constant 2 : i32
    %mul3A_0 = arith.muli %arg1, %mul3A : i32
    %add3A = arith.addi %mul3A_0, %arg0 : i32
    %mul3A_1 = arith.constant 6400 : i32
    %mul3A_2 = arith.muli %add3A, %mul3A_1 : i32
    "tpu.region"() ({
      %run_scoped3A = tpu.sem_alloc : memref<!tpu.dma_semaphore, #tpu.memory_space<semaphore_mem>>
      %dma_start3A_25 = arith.constant 0 : i32
      %dma_start3A_26 = arith.constant 0 : i32
      %dma_start3A_27 = tpu.memref_slice %arg3[%add3A, %dma_start3A_25, %dma_start3A_26] : memref<32x100x64xi32, #tpu.memory_space<hbm>> -> memref<1x100x64xi32, #tpu.memory_space<hbm>>
      %dma_start3A_28 = tpu.memref_squeeze %dma_start3A_27 : memref<1x100x64xi32, #tpu.memory_space<hbm>> -> memref<100x64xi32, #tpu.memory_space<hbm>>
      %dma_start3A_29 = arith.constant 0 : i32
      %dma_start3A_30 = arith.constant 0 : i32
      %dma_start3A_31 = tpu.memref_slice %arg3[%add3A, %dma_start3A_29, %dma_start3A_30] : memref<32x100x64xi32, #tpu.memory_space<hbm>> -> memref<1x100x64xi32, #tpu.memory_space<hbm>>
      %dma_start3A_32 = tpu.memref_squeeze %dma_start3A_31 : memref<1x100x64xi32, #tpu.memory_space<hbm>> -> memref<100x64xi32, #tpu.memory_space<hbm>>
      tpu.enqueue_dma source(%dma_start3A_32 : memref<100x64xi32, #tpu.memory_space<hbm>>) target(%arg5 : memref<100x64xi32, #tpu.memory_space<vmem>>) target_semaphore(%run_scoped3A : memref<!tpu.dma_semaphore, #tpu.memory_space<semaphore_mem>>)
      %dma_wait3A_33 = arith.constant 0 : i32
      %dma_wait3A_34 = arith.constant 0 : i32
      %dma_wait3A_35 = tpu.memref_slice %arg3[%add3A, %dma_wait3A_33, %dma_wait3A_34] : memref<32x100x64xi32, #tpu.memory_space<hbm>> -> memref<1x100x64xi32, #tpu.memory_space<hbm>>
      %dma_wait3A_36 = tpu.memref_squeeze %dma_wait3A_35 : memref<1x100x64xi32, #tpu.memory_space<hbm>> -> memref<100x64xi32, #tpu.memory_space<hbm>>
      %dma_wait3A_37 = arith.constant 0 : i32
      %dma_wait3A_38 = arith.constant 0 : i32
      %dma_wait3A_39 = tpu.memref_slice %arg3[%add3A, %dma_wait3A_37, %dma_wait3A_38] : memref<32x100x64xi32, #tpu.memory_space<hbm>> -> memref<1x100x64xi32, #tpu.memory_space<hbm>>
      %dma_wait3A_40 = tpu.memref_squeeze %dma_wait3A_39 : memref<1x100x64xi32, #tpu.memory_space<hbm>> -> memref<100x64xi32, #tpu.memory_space<hbm>>
      tpu.wait_dma2 semaphore(%run_scoped3A : memref<!tpu.dma_semaphore, #tpu.memory_space<semaphore_mem>>) src(%dma_wait3A_40 : memref<100x64xi32, #tpu.memory_space<hbm>>) dst(%arg5 : memref<100x64xi32, #tpu.memory_space<vmem>>)
      tpu.yield
    }) : () -> ()
    %dma_start3A = arith.constant 0 : i32
    %dma_start3A_3 = arith.constant 0 : i32
    %dma_start3A_4 = tpu.memref_slice %arg5[%dma_start3A, %dma_start3A_3] : memref<100x64xi32, #tpu.memory_space<vmem>> -> memref<1x64xi32, #tpu.memory_space<vmem>>
    %dma_start3A_5 = tpu.memref_squeeze %dma_start3A_4 : memref<1x64xi32, #tpu.memory_space<vmem>> -> memref<64xi32, #tpu.memory_space<vmem>>
    %dma_start3A_6 = arith.constant 0 : i32
    %dma_start3A_7 = arith.constant 0 : i32
    %dma_start3A_8 = tpu.memref_slice %arg2[%dma_start3A_6, %dma_start3A_7] : memref<20000x768xf32, #tpu.memory_space<hbm>> -> memref<20000x768xf32, #tpu.memory_space<hbm>>
    tpu.enqueue_indirect_dma source(%dma_start3A_8 : memref<20000x768xf32, #tpu.memory_space<hbm>>) target(%arg6 : memref<64x768xf32, #tpu.memory_space<vmem>>) offsets(%dma_start3A_5 : memref<64xi32, #tpu.memory_space<vmem>>) semaphore(%arg8 : memref<!tpu.dma_semaphore, #tpu.memory_space<semaphore_mem>>)
    %scan3A = arith.constant 0 : i32
    %scan3A_9 = arith.constant 0 : i32
    %scan3A_10 = arith.constant 50 : i32
    %scan3A_11 = arith.addi %scan3A_9, %scan3A_10 : i32
    %scan3A_12 = arith.constant 1 : i32
    scf.for %scan3A_25 = %scan3A_9 to %scan3A_11 step %scan3A_12  : i32 {
      %mul3A_26 = arith.constant 2 : i32
      %mul3A_27 = arith.muli %mul3A_26, %scan3A_25 : i32
      %add3A_28 = arith.constant 1 : i32
      %add3A_29 = arith.addi %mul3A_27, %add3A_28 : i32
      %gt3A = arith.constant 0 : i32
      %gt3A_30 = arith.cmpi sgt, %scan3A_25, %gt3A : i32
      %convert_element_type3A = arith.extui %gt3A_30 : i1 to i32
      %cond3A = arith.constant 0 : i32
      %cond3A_31 = arith.cmpi ne, %convert_element_type3A, %cond3A : i32
      scf.if %cond3A_31 {
        %mul3A_68 = arith.constant 64 : i32
        %mul3A_69 = arith.muli %add3A_29, %mul3A_68 : i32
        %add3A_70 = arith.addi %mul3A_2, %mul3A_69 : i32
        %dma_wait3A_71 = arith.constant 0 : i32
        %dma_wait3A_72 = tpu.memref_slice %arg4[%add3A_70, %dma_wait3A_71] : memref<204800x768xf32, #tpu.memory_space<hbm>> -> memref<64x768xf32, #tpu.memory_space<hbm>>
        %dma_wait3A_73 = arith.constant 0 : i32
        %dma_wait3A_74 = tpu.memref_slice %arg4[%add3A_70, %dma_wait3A_73] : memref<204800x768xf32, #tpu.memory_space<hbm>> -> memref<64x768xf32, #tpu.memory_space<hbm>>
        tpu.wait_dma2 semaphore(%arg11 : memref<!tpu.dma_semaphore, #tpu.memory_space<semaphore_mem>>) src(%arg7 : memref<64x768xf32, #tpu.memory_space<vmem>>) dst(%dma_wait3A_74 : memref<64x768xf32, #tpu.memory_space<hbm>>)
      } else {
      }
      %dma_start3A_32 = arith.constant 0 : i32
      %dma_start3A_33 = tpu.memref_slice %arg5[%add3A_29, %dma_start3A_32] : memref<100x64xi32, #tpu.memory_space<vmem>> -> memref<1x64xi32, #tpu.memory_space<vmem>>
      %dma_start3A_34 = tpu.memref_squeeze %dma_start3A_33 : memref<1x64xi32, #tpu.memory_space<vmem>> -> memref<64xi32, #tpu.memory_space<vmem>>
      %dma_start3A_35 = arith.constant 0 : i32
      %dma_start3A_36 = arith.constant 0 : i32
      %dma_start3A_37 = tpu.memref_slice %arg2[%dma_start3A_35, %dma_start3A_36] : memref<20000x768xf32, #tpu.memory_space<hbm>> -> memref<20000x768xf32, #tpu.memory_space<hbm>>
      tpu.enqueue_indirect_dma source(%dma_start3A_37 : memref<20000x768xf32, #tpu.memory_space<hbm>>) target(%arg7 : memref<64x768xf32, #tpu.memory_space<vmem>>) offsets(%dma_start3A_34 : memref<64xi32, #tpu.memory_space<vmem>>) semaphore(%arg9 : memref<!tpu.dma_semaphore, #tpu.memory_space<semaphore_mem>>)
      %dma_wait3A_38 = arith.constant 0 : i32
      %dma_wait3A_39 = tpu.memref_slice %arg5[%mul3A_27, %dma_wait3A_38] : memref<100x64xi32, #tpu.memory_space<vmem>> -> memref<1x64xi32, #tpu.memory_space<vmem>>
      %dma_wait3A_40 = tpu.memref_squeeze %dma_wait3A_39 : memref<1x64xi32, #tpu.memory_space<vmem>> -> memref<64xi32, #tpu.memory_space<vmem>>
      %dma_wait3A_41 = arith.constant 0 : i32
      %dma_wait3A_42 = arith.constant 0 : i32
      %dma_wait3A_43 = tpu.memref_slice %arg2[%dma_wait3A_41, %dma_wait3A_42] : memref<20000x768xf32, #tpu.memory_space<hbm>> -> memref<20000x768xf32, #tpu.memory_space<hbm>>
      tpu.wait_indirect_dma semaphore(%arg8 : memref<!tpu.dma_semaphore, #tpu.memory_space<semaphore_mem>>) src(%dma_wait3A_43 : memref<20000x768xf32, #tpu.memory_space<hbm>>) dst(%arg6 : memref<64x768xf32, #tpu.memory_space<vmem>>)
      %mul3A_44 = arith.constant 64 : i32
      %mul3A_45 = arith.muli %mul3A_27, %mul3A_44 : i32
      %add3A_46 = arith.addi %mul3A_2, %mul3A_45 : i32
      %dma_start3A_47 = arith.constant 0 : i32
      %dma_start3A_48 = tpu.memref_slice %arg4[%add3A_46, %dma_start3A_47] : memref<204800x768xf32, #tpu.memory_space<hbm>> -> memref<64x768xf32, #tpu.memory_space<hbm>>
      %dma_start3A_49 = arith.constant 0 : i32
      %dma_start3A_50 = tpu.memref_slice %arg4[%add3A_46, %dma_start3A_49] : memref<204800x768xf32, #tpu.memory_space<hbm>> -> memref<64x768xf32, #tpu.memory_space<hbm>>
      tpu.enqueue_dma source(%arg6 : memref<64x768xf32, #tpu.memory_space<vmem>>) target(%dma_start3A_50 : memref<64x768xf32, #tpu.memory_space<hbm>>) target_semaphore(%arg10 : memref<!tpu.dma_semaphore, #tpu.memory_space<semaphore_mem>>)
      %lt3A = arith.constant 49 : i32
      %lt3A_51 = arith.cmpi slt, %scan3A_25, %lt3A : i32
      %convert_element_type3A_52 = arith.extui %lt3A_51 : i1 to i32
      %cond3A_53 = arith.constant 0 : i32
      %cond3A_54 = arith.cmpi ne, %convert_element_type3A_52, %cond3A_53 : i32
      scf.if %cond3A_54 {
        %mul3A_68 = arith.constant 64 : i32
        %mul3A_69 = arith.muli %mul3A_27, %mul3A_68 : i32
        %add3A_70 = arith.addi %mul3A_2, %mul3A_69 : i32
        %dma_wait3A_71 = arith.constant 0 : i32
        %dma_wait3A_72 = tpu.memref_slice %arg4[%add3A_70, %dma_wait3A_71] : memref<204800x768xf32, #tpu.memory_space<hbm>> -> memref<64x768xf32, #tpu.memory_space<hbm>>
        %dma_wait3A_73 = arith.constant 0 : i32
        %dma_wait3A_74 = tpu.memref_slice %arg4[%add3A_70, %dma_wait3A_73] : memref<204800x768xf32, #tpu.memory_space<hbm>> -> memref<64x768xf32, #tpu.memory_space<hbm>>
        tpu.wait_dma2 semaphore(%arg10 : memref<!tpu.dma_semaphore, #tpu.memory_space<semaphore_mem>>) src(%arg6 : memref<64x768xf32, #tpu.memory_space<vmem>>) dst(%dma_wait3A_74 : memref<64x768xf32, #tpu.memory_space<hbm>>)
        %add3A_75 = arith.constant 2 : i32
        %add3A_76 = arith.addi %mul3A_27, %add3A_75 : i32
        %dma_start3A_77 = arith.constant 0 : i32
        %dma_start3A_78 = tpu.memref_slice %arg5[%add3A_76, %dma_start3A_77] : memref<100x64xi32, #tpu.memory_space<vmem>> -> memref<1x64xi32, #tpu.memory_space<vmem>>
        %dma_start3A_79 = tpu.memref_squeeze %dma_start3A_78 : memref<1x64xi32, #tpu.memory_space<vmem>> -> memref<64xi32, #tpu.memory_space<vmem>>
        %dma_start3A_80 = arith.constant 0 : i32
        %dma_start3A_81 = arith.constant 0 : i32
        %dma_start3A_82 = tpu.memref_slice %arg2[%dma_start3A_80, %dma_start3A_81] : memref<20000x768xf32, #tpu.memory_space<hbm>> -> memref<20000x768xf32, #tpu.memory_space<hbm>>
        tpu.enqueue_indirect_dma source(%dma_start3A_82 : memref<20000x768xf32, #tpu.memory_space<hbm>>) target(%arg6 : memref<64x768xf32, #tpu.memory_space<vmem>>) offsets(%dma_start3A_79 : memref<64xi32, #tpu.memory_space<vmem>>) semaphore(%arg8 : memref<!tpu.dma_semaphore, #tpu.memory_space<semaphore_mem>>)
      } else {
      }
      %dma_wait3A_55 = arith.constant 0 : i32
      %dma_wait3A_56 = tpu.memref_slice %arg5[%add3A_29, %dma_wait3A_55] : memref<100x64xi32, #tpu.memory_space<vmem>> -> memref<1x64xi32, #tpu.memory_space<vmem>>
      %dma_wait3A_57 = tpu.memref_squeeze %dma_wait3A_56 : memref<1x64xi32, #tpu.memory_space<vmem>> -> memref<64xi32, #tpu.memory_space<vmem>>
      %dma_wait3A_58 = arith.constant 0 : i32
      %dma_wait3A_59 = arith.constant 0 : i32
      %dma_wait3A_60 = tpu.memref_slice %arg2[%dma_wait3A_58, %dma_wait3A_59] : memref<20000x768xf32, #tpu.memory_space<hbm>> -> memref<20000x768xf32, #tpu.memory_space<hbm>>
      tpu.wait_indirect_dma semaphore(%arg9 : memref<!tpu.dma_semaphore, #tpu.memory_space<semaphore_mem>>) src(%dma_wait3A_60 : memref<20000x768xf32, #tpu.memory_space<hbm>>) dst(%arg7 : memref<64x768xf32, #tpu.memory_space<vmem>>)
      %mul3A_61 = arith.constant 64 : i32
      %mul3A_62 = arith.muli %add3A_29, %mul3A_61 : i32
      %add3A_63 = arith.addi %mul3A_2, %mul3A_62 : i32
      %dma_start3A_64 = arith.constant 0 : i32
      %dma_start3A_65 = tpu.memref_slice %arg4[%add3A_63, %dma_start3A_64] : memref<204800x768xf32, #tpu.memory_space<hbm>> -> memref<64x768xf32, #tpu.memory_space<hbm>>
      %dma_start3A_66 = arith.constant 0 : i32
      %dma_start3A_67 = tpu.memref_slice %arg4[%add3A_63, %dma_start3A_66] : memref<204800x768xf32, #tpu.memory_space<hbm>> -> memref<64x768xf32, #tpu.memory_space<hbm>>
      tpu.enqueue_dma source(%arg7 : memref<64x768xf32, #tpu.memory_space<vmem>>) target(%dma_start3A_67 : memref<64x768xf32, #tpu.memory_space<hbm>>) target_semaphore(%arg11 : memref<!tpu.dma_semaphore, #tpu.memory_space<semaphore_mem>>)
    }
    %scan3A_13 = arith.constant 50 : i32
    %add3A_14 = arith.constant 6272 : i32
    %add3A_15 = arith.addi %mul3A_2, %add3A_14 : i32
    %dma_wait3A = arith.constant 0 : i32
    %dma_wait3A_16 = tpu.memref_slice %arg4[%add3A_15, %dma_wait3A] : memref<204800x768xf32, #tpu.memory_space<hbm>> -> memref<64x768xf32, #tpu.memory_space<hbm>>
    %dma_wait3A_17 = arith.constant 0 : i32
    %dma_wait3A_18 = tpu.memref_slice %arg4[%add3A_15, %dma_wait3A_17] : memref<204800x768xf32, #tpu.memory_space<hbm>> -> memref<64x768xf32, #tpu.memory_space<hbm>>
    tpu.wait_dma2 semaphore(%arg10 : memref<!tpu.dma_semaphore, #tpu.memory_space<semaphore_mem>>) src(%arg6 : memref<64x768xf32, #tpu.memory_space<vmem>>) dst(%dma_wait3A_18 : memref<64x768xf32, #tpu.memory_space<hbm>>)
    %add3A_19 = arith.constant 6336 : i32
    %add3A_20 = arith.addi %mul3A_2, %add3A_19 : i32
    %dma_wait3A_21 = arith.constant 0 : i32
    %dma_wait3A_22 = tpu.memref_slice %arg4[%add3A_20, %dma_wait3A_21] : memref<204800x768xf32, #tpu.memory_space<hbm>> -> memref<64x768xf32, #tpu.memory_space<hbm>>
    %dma_wait3A_23 = arith.constant 0 : i32
    %dma_wait3A_24 = tpu.memref_slice %arg4[%add3A_20, %dma_wait3A_23] : memref<204800x768xf32, #tpu.memory_space<hbm>> -> memref<64x768xf32, #tpu.memory_space<hbm>>
    tpu.wait_dma2 semaphore(%arg11 : memref<!tpu.dma_semaphore, #tpu.memory_space<semaphore_mem>>) src(%arg7 : memref<64x768xf32, #tpu.memory_space<vmem>>) dst(%dma_wait3A_24 : memref<64x768xf32, #tpu.memory_space<hbm>>)
    return
  }
}

module attributes {stable_mosaic.version = 14 : i64} {
  func.func @_mlp_body(%arg0: i32, %arg1: memref<800x768xf32, #tpu.memory_space<vmem>>, %arg2: memref<768x768xf32, #tpu.memory_space<vmem>>, %arg3: memref<1x768xf32, #tpu.memory_space<vmem>>, %arg4: memref<768x768xf32, #tpu.memory_space<vmem>>, %arg5: memref<1x768xf32, #tpu.memory_space<vmem>>, %arg6: memref<800x768xf32, #tpu.memory_space<vmem>>) attributes {dimension_semantics = [#tpu.dimension_semantics<arbitrary>], iteration_bounds = array<i64: 25>, scalar_prefetch = 0 : i64, scratch_operands = 0 : i64, tpu.core_type = #tpu.core_type<tc>, window_params = [{transform_indices = @transform_0, window_bounds = array<i64: 800, 768>}, {pipeline_mode = #tpu.pipeline_mode<synchronous>, transform_indices = @transform_1, window_bounds = array<i64: 768, 768>}, {pipeline_mode = #tpu.pipeline_mode<synchronous>, transform_indices = @transform_2, window_bounds = array<i64: 1, 768>}, {pipeline_mode = #tpu.pipeline_mode<synchronous>, transform_indices = @transform_3, window_bounds = array<i64: 768, 768>}, {pipeline_mode = #tpu.pipeline_mode<synchronous>, transform_indices = @transform_4, window_bounds = array<i64: 1, 768>}, {transform_indices = @transform_5, window_bounds = array<i64: 800, 768>}]} {
    %get3A = arith.constant 0 : index
    %get3A_0 = arith.constant 0 : index
    %get3A_1 = vector.load %arg1[%get3A, %get3A_0] : memref<800x768xf32, #tpu.memory_space<vmem>>, vector<800x768xf32>
    %get3A_2 = arith.constant 0 : index
    %get3A_3 = arith.constant 0 : index
    %get3A_4 = vector.load %arg2[%get3A_2, %get3A_3] : memref<768x768xf32, #tpu.memory_space<vmem>>, vector<768x768xf32>
    %dot_general3A = arith.constant dense<0.000000e+00> : vector<800x768xf32>
    %dot_general3A_5 = tpu.matmul %get3A_1, %get3A_4, %dot_general3A {dimension_numbers = #tpu.dot_dimension_numbers<[1], [0], [0], [1], [0, 0, 1, 1], [], []>, transpose_lhs_hint = false} : vector<800x768xf32>, vector<768x768xf32>, vector<800x768xf32> -> vector<800x768xf32>
    %get3A_6 = arith.constant 0 : index
    %get3A_7 = arith.constant 0 : index
    %get3A_8 = vector.load %arg3[%get3A_6, %get3A_7] : memref<1x768xf32, #tpu.memory_space<vmem>>, vector<1x768xf32>
    %add3A = vector.broadcast %get3A_8 : vector<1x768xf32> to vector<800x768xf32>
    %add3A_9 = arith.addf %dot_general3A_5, %add3A : vector<800x768xf32>
    %max3A = arith.constant 0.000000e+00 : f32
    %max3A_10 = vector.broadcast %max3A : f32 to vector<800x768xf32>
    %max3A_11 = arith.maximumf %add3A_9, %max3A_10 : vector<800x768xf32>
    %get3A_12 = arith.constant 0 : index
    %get3A_13 = arith.constant 0 : index
    %get3A_14 = vector.load %arg4[%get3A_12, %get3A_13] : memref<768x768xf32, #tpu.memory_space<vmem>>, vector<768x768xf32>
    %dot_general3A_15 = arith.constant dense<0.000000e+00> : vector<800x768xf32>
    %dot_general3A_16 = tpu.matmul %max3A_11, %get3A_14, %dot_general3A_15 {dimension_numbers = #tpu.dot_dimension_numbers<[1], [0], [0], [1], [0, 0, 1, 1], [], []>, transpose_lhs_hint = false} : vector<800x768xf32>, vector<768x768xf32>, vector<800x768xf32> -> vector<800x768xf32>
    %get3A_17 = arith.constant 0 : index
    %get3A_18 = arith.constant 0 : index
    %get3A_19 = vector.load %arg5[%get3A_17, %get3A_18] : memref<1x768xf32, #tpu.memory_space<vmem>>, vector<1x768xf32>
    %add3A_20 = vector.broadcast %get3A_19 : vector<1x768xf32> to vector<800x768xf32>
    %add3A_21 = arith.addf %dot_general3A_16, %add3A_20 : vector<800x768xf32>
    %swap3A = arith.constant 0 : index
    %swap3A_22 = arith.constant 0 : index
    %swap3A_23 = vector.load %arg6[%swap3A, %swap3A_22] : memref<800x768xf32, #tpu.memory_space<vmem>>, vector<800x768xf32>
    tpu.vector_store %arg6[%swap3A, %swap3A_22], %add3A_21 {strides = array<i32>} : memref<800x768xf32, #tpu.memory_space<vmem>>, vector<800x768xf32>,
    return
  }
  func.func @transform_0(%arg0: i32) -> (i32, i32) {
    %c0_i32 = arith.constant 0 : i32
    %c0_i32_0 = arith.constant 0 : i32
    return %arg0, %c0_i32 : i32, i32
  }
  func.func @transform_1(%arg0: i32) -> (i32, i32) {
    %c0_i32 = arith.constant 0 : i32
    %c0_i32_0 = arith.constant 0 : i32
    %c0_i32_1 = arith.constant 0 : i32
    return %c0_i32, %c0_i32_0 : i32, i32
  }
  func.func @transform_2(%arg0: i32) -> (i32, i32) {
    %c0_i32 = arith.constant 0 : i32
    %c0_i32_0 = arith.constant 0 : i32
    %c0_i32_1 = arith.constant 0 : i32
    return %c0_i32, %c0_i32_0 : i32, i32
  }
  func.func @transform_3(%arg0: i32) -> (i32, i32) {
    %c0_i32 = arith.constant 0 : i32
    %c0_i32_0 = arith.constant 0 : i32
    %c0_i32_1 = arith.constant 0 : i32
    return %c0_i32, %c0_i32_0 : i32, i32
  }
  func.func @transform_4(%arg0: i32) -> (i32, i32) {
    %c0_i32 = arith.constant 0 : i32
    %c0_i32_0 = arith.constant 0 : i32
    %c0_i32_1 = arith.constant 0 : i32
    return %c0_i32, %c0_i32_0 : i32, i32
  }
  func.func @transform_5(%arg0: i32) -> (i32, i32) {
    %c0_i32 = arith.constant 0 : i32
    %c0_i32_0 = arith.constant 0 : i32
    return %arg0, %c0_i32 : i32, i32
  }
}

</mosaic_0001>

<sc_bundles>
// kernel: kernel.4.cloned.1.call-start
scs
__scs_entry_jumppad:
0x0: {  	(pc) =	sbr.rel $0x88, $3  }
0x1: {  	(tag) =	ssettag $0x0;
	lr =	simm.s32 $0x1  }
0x2: {  	[smem:$0x3F9B] =	sst lr;
	_ =	strace $0xD0000000  }
0x3: {  	_ = 	snop  }
0x4: {  	_ = 	snop  }
0x5: {  	_ = 	snop  }
0x6: {  	_ = 	snop  }
0x7: {  	_ = 	snop  }
__scs_overlays_trampoline_lowered:
0x8: {  	[smem:$0x3FAA] =	sst s0  }
0x9: {  	[smem:$0x3FAB] =	sst s1  }
0xa: {  	[smem:$0x3FAC] =	sst s2  }
0xb: {  	[smem:$0x3FAD] =	sst s3  }
0xc: {  	[smem:$0x3FAE] =	sst s4  }
0xd: {  	[smem:$0x3FAF] =	sst s5  }
0xe: {  	[smem:$0x3FB0] =	sst s6  }
0xf: {  	[smem:$0x3FB1] =	sst s7  }
0x10: {  	[smem:$0x3FB2] =	sst s8  }
0x11: {  	[smem:$0x3FB3] =	sst s9;
	s0 =	simm.s32 @!p0 $0x0  }
0x12: {  	s1 =	sld [smem:$0x3F99];
	s0 =	simm.s32 @p0 $0x1  }
0x13: {  	[smem:$0x3FB4] =	sst s0;
	s0 =	simm.s32 @!p1 $0x0  }
0x14: {  	s2 =	sld [smem:$0x3F98];
	s0 =	simm.s32 @p1 $0x1  }
0x15: {  	[smem:$0x3FB5] =	sst s0;
	s0 =	simm.s32 @!p2 $0x0  }
0x16: {  	s3 =	sld [smem:$0x3FDB];
	s0 =	simm.s32 @p2 $0x1  }
0x17: {  	s4 =	simm.s32 $0x1BF5;
	[smem:$0x3FB7] =	sst s0  }
0x18: {  	s0 =	sld [smem:$0x3F9A];
	_ =	swait.ge [sflag:s4], $0x0  }
0x19: {  	s7 =	sld [smem:$0x3F9B]  }
0x1a: {  	s8 =	sadd.s32 $0xFFFFE003, lr  }
0x1b: {  	s9 =	sadd.s32 $0xFFFFFEF7, lr;
	s5 =	simm.s32 $0xFFFFFFFF;
	p2 =	slt.u32 s8, $0xFFFFF086  }
0x1c: {  	p1 =	slt.u32 s9, $0xF7A;
	s5 =	simm.s32 @!p2 $0x0  }
0x1d: {  	s5 =	simm.s32 @p1 $0x1;
	p0 =	seq.s32 s7, s2  }
0x1e: {  	s7 =	smul.u32 @!p0 $0xF7A, s2;
	p2 =	seq.s32 @!p0 s5, $0x0  }
0x1f: {  	s9 =	smul.u32 $0xF7A, s1;
	s8 =	simm.s32 @!p0 $0x1BF5;
	p2 =	por !p2, p0  }
0x20: {  	[sflag:s8] =	ssyncset.s32 @!p0 $0xFFFFF086;
	s6 =	sadd.s32 @!p0 s3, s7;
	s7 =	simm.s32 @!p0 $0x108  }
0x21: {  	s3 =	sadd.s32 s3, s9;
	s6 =	sadd.s32 @!p0 $0x88, s6;
	s7 =	simm.s32 @p2 $0x1082  }
0x22: {  	[simem:s7], [sflag:s8] =	dma.local @!p0 [hbm:s6], $0xF7A  }
0x23: {  	s9 =	sor.u32 $0xD0000000, s2;
	s6 =	simm.s32 $0x108;
	_ =	swait.ge @!p0 [sflag:s8], $0x0  }
0x24: {  	s3 =	sadd.s32 $0x88, s3;
	s6 =	simm.s32 @!p1 $0x1082;
	[sflag:s4] =	ssyncset.s32 $0xFFFFF086  }
0x25: {  	[simem:s6], [sflag:s4] =	dma.local [hbm:s3], $0xF7A  }
0x26: {  	[smem:$0x3F9B] =	sst s1;
	(tag) =	ssettag s2;
	_ =	strace s9  }
0x27: {  	s1 =	sld [smem:$0x3FAB]  }
0x28: {  	s2 =	sld [smem:$0x3FAC]  }
0x29: {  	s4 =	sld [smem:$0x3FAE]  }
0x2a: {  	p0 =	seq.s32 s5, $0x0;
	s5 =	sld [smem:$0x3FAF]  }
0x2b: {  	s6 =	sld [smem:$0x3FB0]  }
0x2c: {  	s7 =	sld [smem:$0x3FB1]  }
0x2d: {  	s3 =	simm.s32 $0x108;
	s8 =	sld [smem:$0x3FB2]  }
0x2e: {  	s3 =	simm.s32 @!p0 $0x1082;
	s9 =	sld [smem:$0x3FB3]  }
0x2f: {  	lr =	sadd.s32 s0, s3;
	s0 =	sld [smem:$0x3FAA]  }
0x30: {  	s3 =	sld [smem:$0x3FAD]  }
0x31: {  	[smem:$0x3FB6] =	sst s10  }
0x32: {  	s10 =	sld [smem:$0x3FB4];
	_ =	sdelay $0x3  }
0x33: {  	p0 =	seq.s32 s10, $0x1;
	s10 =	sld [smem:$0x3FB6];
	_ =	sdelay $0x3  }
0x34: {  	[smem:$0x3FB6] =	sst s10  }
0x35: {  	s10 =	sld [smem:$0x3FB5];
	_ =	sdelay $0x3  }
0x36: {  	p1 =	seq.s32 s10, $0x1;
	s10 =	sld [smem:$0x3FB6];
	_ =	sdelay $0x3  }
0x37: {  	[smem:$0x3FB6] =	sst s10  }
0x38: {  	s10 =	sld [smem:$0x3FB7]  }
0x39: {  	_ = 	snop;
	(pc) =	sbr.ind lr, $3  }
0x3a: {  	_ = 	snop  }
0x3b: {  	_ = 	snop  }
0x3c: {  	p2 =	seq.s32 s10, $0x1;
	s10 =	sld [smem:$0x3FB6]  }
0x3d: {  	_ =	shalt  }
0x3e: {  	_ =	shalt  }
0x3f: {  	_ =	shalt  }
0x40: {  	_ =	shalt  }
0x41: {  	_ =	shalt  }
0x42: {  	_ =	shalt  }
0x43: {  	_ =	shalt  }
0x44: {  	_ =	shalt  }
0x45: {  	_ =	shalt  }
0x46: {  	_ =	shalt  }
0x47: {  	_ =	shalt  }
0x48: {  	_ =	shalt  }
0x49: {  	_ =	shalt  }
0x4a: {  	_ =	shalt  }
0x4b: {  	_ =	shalt  }
0x4c: {  	_ =	shalt  }
0x4d: {  	_ =	shalt  }
0x4e: {  	_ =	shalt  }
0x4f: {  	_ =	shalt  }
0x50: {  	_ =	shalt  }
0x51: {  	_ =	shalt  }
0x52: {  	_ =	shalt  }
0x53: {  	_ =	shalt  }
0x54: {  	_ =	shalt  }
0x55: {  	_ =	shalt  }
0x56: {  	_ =	shalt  }
0x57: {  	_ =	shalt  }
0x58: {  	_ =	shalt  }
0x59: {  	_ =	shalt  }
0x5a: {  	_ =	shalt  }
0x5b: {  	_ =	shalt  }
0x5c: {  	_ =	shalt  }
0x5d: {  	_ =	shalt  }
0x5e: {  	_ =	shalt  }
0x5f: {  	_ =	shalt  }
0x60: {  	_ =	shalt  }
0x61: {  	_ =	shalt  }
0x62: {  	_ =	shalt  }
0x63: {  	_ =	shalt  }
0x64: {  	_ =	shalt  }
0x65: {  	_ =	shalt  }
0x66: {  	_ =	shalt  }
0x67: {  	_ =	shalt  }
0x68: {  	_ =	shalt  }
0x69: {  	_ =	shalt  }
0x6a: {  	_ =	shalt  }
0x6b: {  	_ =	shalt  }
0x6c: {  	_ =	shalt  }
0x6d: {  	_ =	shalt  }
0x6e: {  	_ =	shalt  }
0x6f: {  	_ =	shalt  }
0x70: {  	_ =	shalt  }
0x71: {  	_ =	shalt  }
0x72: {  	_ =	shalt  }
0x73: {  	_ =	shalt  }
0x74: {  	_ =	shalt  }
0x75: {  	_ =	shalt  }
0x76: {  	_ =	shalt  }
0x77: {  	_ =	shalt  }
0x78: {  	_ =	shalt  }
0x79: {  	_ =	shalt  }
0x7a: {  	_ =	shalt  }
0x7b: {  	_ =	shalt  }
0x7c: {  	_ =	shalt  }
0x7d: {  	_ =	shalt  }
0x7e: {  	_ =	shalt  }
0x7f: {  	_ =	shalt  }
0x80: {  	_ =	shalt  }
0x81: {  	_ =	shalt  }
0x82: {  	_ =	shalt  }
0x83: {  	_ =	shalt  }
0x84: {  	_ =	shalt  }
0x85: {  	_ =	shalt  }
0x86: {  	_ =	shalt  }
0x87: {  	_ =	shalt  }
.Lfunc_end0:
.L_simem_size_0:
called_computation_lowered:
.L_overlay_start_0:
0x88: {  	s2 =	sld [smem:$0x3FD9]  }
0x89: {  	s3 =	sld [smem:$0x3FFE];
	_ =	sdelay $0x1  }
0x8a: {  	s1 =	srdreg.scid  }
0x8b: {  	s0 =	sand.u32 $0x1, s1  }
0x8c: {  	s17 =	sshll.u32 s0, $0xA;
	s2 =	sadd.s32 s3, s2  }
0x8d: {  	s2 =	sadd.s32 s2, s17  }
0x8e: {  	[smem:$0x3FC2] =	sst s2  }
0x8f: {  	_ = 	snop  }
0x90: {  	s2 =	sld [smem:$0x3FD0];
	(tm) =	ssettm $0x1  }
0x91: {  	s18 =	sld [smem:$0x3FFB];
	_ =	sdelay $0x3  }
0x92: {  	_ =	strace s18  }
0x93: {  	s3 =	sld [smem:$0x3FFC];
	_ =	sdelay $0x3  }
0x94: {  	_ =	strace s3  }
0x95: {  	s3 =	sld [smem:$0x3FFD];
	_ =	sdelay $0x3  }
0x96: {  	_ =	strace s3  }
0x97: {  	_ =	strace $0x8FFFFFFF  }
0x98: {  	s19 =	sld [smem:$0x3FDB];
	_ =	sdelay $0x1  }
0x99: {  	s4 =	simm.s32 $_scs_section_size  }
0x9a: {  	s5 =	simm.s32 $_size__tile_overlayer_lowered;
	s6 =	simm.s32 $_tile_overlayer_lowered  }
0x9b: {  	s22 =	simm.s32 $0x1BFF;
	s21 =	sshll.u32 s6, $0x1;
	s3 =	sadd.s32 s4, s19  }
0x9c: {  	s7 =	simm.s32 $0x0;
	s20 =	sshll.u32 s5, $0x1;
	s5 =	sadd.s32 s21, s3  }
0x9d: {  	[timem:s7], [sflag:s22] =	dma.local [hbm:s5], s20  }
0x9e: {  	_ =	swait.ge [sflag:s22], s20  }
0x9f: {  	s4 =	ssub.s32 $0x0, s20;
	[sflag:s22] =	ssyncset.done $0x0  }
0xa0: {  	[sflag:s22] =	ssyncadd.s32 s4;
	_ =	sdelay $0x1  }
0xa1: {  	s23 =	simm.s32 $0x1B8B  }
0xa2: {  	_ =	swait.ge [sflag:s23], $0x1  }
0xa3: {  	[sflag:s23] =	ssyncset.done $0x0  }
0xa4: {  	s25 =	simm.s32 $0x1B8E;
	s24 =	sld [smem:$0x3FFE];
	[sflag:s23] =	ssyncadd.s32 $0xFFFFFFFF  }
0xa5: {  	s26 =	simm.s32 $execute0_lowered;
	[smem:$0x3FD2] =	sst s25  }
0xa6: {  	s5 =	sshll.u32 s26, $0x1;
	_ =	strace $0x80000046;
	[dreg:$0x1] =	wrdreg $0xFFFFFFFF  }
0xa7: {  	s28 =	simm.s32 $_size_execute0_lowered;
	s3 =	sadd.s32 s3, s5;
	[dreg:$0x0] =	wrdreg $0x0  }
0xa8: {  	s5 =	sshll.u32 s28, $0x1;
	[dreg:$0x2] =	wrdreg s3  }
0xa9: {  	[dreg:$0x3] =	wrdreg s5  }
0xaa: {  	[dreg:$0x4] =	wrdreg $0xC0  }
0xab: {  	_ =	task [dreg:s7], $0x5FFFF  }
0xac: {  	[dreg:$0x1] =	wrdreg $0xFFFFFFFF  }
0xad: {  	[dreg:$0x0] =	wrdreg $0x60  }
0xae: {  	[dreg:$0x2] =	wrdreg s24  }
0xaf: {  	[dreg:$0x3] =	wrdreg s2  }
0xb0: {  	[dreg:$0x4] =	wrdreg $0x9  }
0xb1: {  	_ =	task.clear_ibuf [dreg:s7], $0x5FFFF;
	_ =	strace $0x90000046  }
0xb2: {  	s29 =	simm.s32 $0x9;
	_ =	strace $0x80000048  }
0xb3: {  	_ =	swait.ge [sflag:s29], $0x1  }
0xb4: {  	[sflag:s29] =	ssyncadd.s32 $0xFFFFFFFF  }
0xb5: {  	_ =	strace $0x90000048  }
0xb6: {  	_ =	sfence  }
0xb7: {  	s30 =	sld [smem:$0x0];
	_ =	sdelay $0x2  }
0xb8: {  	s31 =	sshll.u32 s1, $0xD;
	s1 =	sshrl.u32 s1, $0x2  }
0xb9: {  	s3 =	sand.u32 $0x4000, s31;
	s1 =	sadd.s32 s1, s30  }
0xba: {  	s0 =	sor.u32 s3, s0;
	s1 =	sshll.u32 s1, $0x11  }
0xbb: {  	s0 =	sor.u32 s1, s0  }
0xbc: {  	s0 =	sadd.s32 $0x8F2B, s0  }
0xbd: {  	[sflag:s0] =	ssyncadd.remote.s32 $0x1  }
0xbe: {  	_ =	sfence.sel $0xFFFF  }
0xbf: {  	[dreg:$0x0] =	wrdreg $0xFFFFFFFF;
	(pc) =	sbr.abs _section_cstart, $3  }
0xc0: {  	[dreg:$0x1] =	wrdreg $0xFFFFFFFF  }
0xc1: {  	_ =	task.clear_ibuf [dreg:s7], $0x2FFFF;
	_ =	strace $0x9FFFFFFF  }
0xc2: {  	(tm) =	ssettm $0x7FFFFFFF  }
0xc3: {  	_ =	shalt  }
tec
execute0_lowered:
.L_overlay_start_1:
0x0: {  	(tag) =	ssettag $0x1  }
0x1: {  	s0 =	rddreg [dreg:$0x0];
	s1 =	srdreg.scid  }
0x2: {  	s6 =	stileid.u32;
	s4 =	rddreg [dreg:$0x1];
	s2 =	simm.s32 $0x0  }
0x3: {  	s11 =	simm.s32 $0x3400;
	s10 =	simm.s32 $0xF400;
	s18 =	simm.s32 $0x12C00  }
0x4: {  	s19 =	simm.s32 $0x13400;
	s20 =	simm.s32 $0x13C00;
	s21 =	simm.s32 $0x14400  }
0x5: {  	s22 =	simm.s32 $0x14C00;
	s23 =	simm.s32 $0x15400;
	s24 =	simm.s32 $0x15C00  }
0x6: {  	s28 =	simm.s32 $0x17400;
	s29 =	simm.s32 $0x17C00;
	s30 =	simm.s32 $0x18400  }
0x7: {  	s31 =	simm.s32 $0x18C00;
	s12 =	simm.s32 $0x1;
	s13 =	simm.s32 $0x2  }
0x8: {  	s14 =	simm.s32 $0x3;
	s17 =	simm.s32 $0x0;
	s1 =	sand.u32 $0x1, s1  }
0x9: {  	s3 =	smul.u32 $0x3200, s6;
	[smem:$0x7FF] =	sst s2;
	s6 =	sshll.u32 s6, $0x1  }
0xa: {  	s5 =	smul.u32 $0x1900, s1;
	s6 =	sor.u32 s1, s6;
	s1 =	ssub.s32 $0x2, s1  }
0xb: {  	_ =	strace $0x80000047;
	s6 =	smul.u32 $0x680, s6;
	s8 =	sshrl.u32 s1, $0x1  }
0xc: {  	s5 =	sadd.s32 s5, s3;
	s3 =	sadd.s32 $0xD800, s0;
	s1 =	ssub.s32 s1, s8  }
0xd: {  	s7 =	sor.u32 $0x40, s5;
	s5 =	sshrl.u32 s5, $0x3;
	s6 =	sadd.s32 s6, s0  }
0xe: {  	s26 =	smax.u32 s1, $0x1;
	s1 =	simm.s32 $0x19400;
	s9 =	smul.u32 $0x300, s5  }
.Ltmp0:
0xf: {  	s7 =	sshrl.u32 s7, $0x3;
	s25 =	sadd.s32 $0x800, s6;
	(pc) =	sbr.rel .LBB2_1-.Ltmp0, $4  }
0x10: {  	s5 =	sadd.s32 $0xD900, s0;
	s6 =	sadd.s32 $0xDA00, s0;
	[dreg:$0x4] =	wrdreg s26  }
0x11: {  	v2 =	vlaneseq.u32;
	s26 =	simm.s32 $0x16C00;
	s0 =	simm.s32 $0x19C00;
	s7 =	smul.u32 $0x300, s7  }
0x12: {  	vm0 =	vmmov $0xffff;
	v1 =	vshrl.u32 v2, $0x3;
	[dreg:$0x3] =	wrdreg s25;
	s25 =	simm.s32 $0x16400;
	s9 =	sadd.s32 s9, s4  }
0x13: {  	v0 =	vand.u32 $0x7, v2;
	v2 =	vor.u32 $0x8, v2;
	v1 =	vmul.u32 $0x8, v1;
	s8 =	sadd.s32 s7, s4;
	s4 =	simm.s32 $0x1A400;
	s7 =	simm.s32 $0x1AC00  }
.LBB2_5:
0x14: {  	_ =	swait.ge [sflag:s14], $0xC000  }
0x15: {  	[sflag:s14] =	ssyncset.done $0x0  }
0x16: {  	s16 =	simm.s32 $0x4;
	[sflag:s14] =	ssyncadd.s32 $0xFFFF4000  }
0x17: {  	_ =	swait.ge [sflag:s16], $0xC000  }
0x18: {  	s17 =	rddreg [dreg:$0x5]  }
0x19: {  	s15 =	rddreg [dreg:$0x4];
	s17 =	sadd.s32 $0x1, s17  }
0x1a: {  	p0 =	sne.s32 s17, s15  }
.Ltmp1:
0x1b: {  	_ = 	snop;
	(pc) =	sbr.rel @!p0 .LBB2_6-.Ltmp1, $3  }
0x1c: {  	_ =	sdelay $0x1  }
0x1d: {  	[sflag:s16] =	ssyncset.done $0x0  }
0x1e: {  	[sflag:s16] =	ssyncadd.s32 $0xFFFF4000  }
.LBB2_1:
0x1f: {  	[dreg:$0x5] =	wrdreg s17  }
0x20: {  	s15 =	rddreg [dreg:$0x3];
	s16 =	simm.s32 $0x5  }
0x21: {  	[tilespmem:s2], [sflag:$0x5] =	stream.linear.gather [hbm4b:s15+s2], $0x3200, $0x38;
	[tilespmem:$0x1B400] =	vst v63  }
0x22: {  	_ =	swait.ge [sflag:s16], $0x3200  }
0x23: {  	[sflag:s16] =	ssyncset.done $0x0  }
0x24: {  	[sflag:s16] =	ssyncadd.s32 $0xFFFFCE00  }
0x25: {  	v3 =	vld [tilespmem:$0x0];
	_ =	sdelay $0x4  }
0x26: {  	v4 =	vshrl.u32 v3, $0x3  }
0x27: {  	v4 =	vmul.u32 $0x30, v4  }
0x28: {  	v3 =	vand.u32 $0x7, v3  }
0x29: {  	v3 =	vor.u32 v3, v4  }
0x2a: {  	v4 =	vperm.xlane v3, v0;
	_ =	sdelay $0x1  }
0x2b: {  	v4 =	vadd.s32 v1, v4;
	_ =	sdelay $0x3  }
0x2c: {  	v3 =	vperm.xlane v3, v2  }
0x2d: {  	[tilespmem:s11], [sflag:$0x1] =	stream.indirect_vreg.gather [hbm4b:s3+s2], $0x80, v4, vm0, $0xb8;
	[tilespmem:$0x1B400] =	vst v63  }
0x2e: {  	s17 =	simm.s32 $0x3C00;
	v3 =	vadd.s32 v1, v3  }
0x2f: {  	[tilespmem:s17], [sflag:$0x1] =	stream.indirect_vreg.gather [hbm4b:s5+s2], $0x80, v4, vm0, $0xb8;
	[tilespmem:$0x1B400] =	vst v63  }
0x30: {  	s16 =	simm.s32 $0x4400  }
0x31: {  	[tilespmem:s16], [sflag:$0x1] =	stream.indirect_vreg.gather [hbm4b:s6+s2], $0x80, v4, vm0, $0xb8;
	[tilespmem:$0x1B400] =	vst v63  }
0x32: {  	s17 =	simm.s32 $0x4C00  }
0x33: {  	[tilespmem:s17], [sflag:$0x1] =	stream.indirect_vreg.gather [hbm4b:s3+s2], $0x80, v3, vm0, $0xb8;
	[tilespmem:$0x1B400] =	vst v63  }
0x34: {  	s16 =	simm.s32 $0x5400  }
0x35: {  	[tilespmem:s16], [sflag:$0x1] =	stream.indirect_vreg.gather [hbm4b:s5+s2], $0x80, v3, vm0, $0xb8;
	[tilespmem:$0x1B400] =	vst v63  }
0x36: {  	s17 =	simm.s32 $0x5C00  }
0x37: {  	[tilespmem:s17], [sflag:$0x1] =	stream.indirect_vreg.gather [hbm4b:s6+s2], $0x80, v3, vm0, $0xb8;
	[tilespmem:$0x1B400] =	vst v63  }
0x38: {  	v3 =	vld [tilespmem:$0x10];
	_ =	sdelay $0x4  }
0x39: {  	v61 =	vshrl.u32 v3, $0x3  }
0x3a: {  	v4 =	vmul.u32 $0x30, v61  }
0x3b: {  	v3 =	vand.u32 $0x7, v3  }
0x3c: {  	v3 =	vor.u32 v3, v4  }
0x3d: {  	v4 =	vperm.xlane v3, v0;
	_ =	sdelay $0x1  }
0x3e: {  	v4 =	vadd.s32 v1, v4;
	_ =	sdelay $0x3  }
0x3f: {  	s16 =	simm.s32 $0x6400;
	v3 =	vperm.xlane v3, v2  }
0x40: {  	[tilespmem:s16], [sflag:$0x1] =	stream.indirect_vreg.gather [hbm4b:s3+s2], $0x80, v4, vm0, $0xb8;
	[tilespmem:$0x1B400] =	vst v63  }
0x41: {  	s17 =	simm.s32 $0x6C00;
	v3 =	vadd.s32 v1, v3  }
0x42: {  	[tilespmem:s17], [sflag:$0x1] =	stream.indirect_vreg.gather [hbm4b:s5+s2], $0x80, v4, vm0, $0xb8;
	[tilespmem:$0x1B400] =	vst v63  }
0x43: {  	s16 =	simm.s32 $0x7400  }
0x44: {  	[tilespmem:s16], [sflag:$0x1] =	stream.indirect_vreg.gather [hbm4b:s6+s2], $0x80, v4, vm0, $0xb8;
	[tilespmem:$0x1B400] =	vst v63  }
0x45: {  	s17 =	simm.s32 $0x7C00  }
0x46: {  	[tilespmem:s17], [sflag:$0x1] =	stream.indirect_vreg.gather [hbm4b:s3+s2], $0x80, v3, vm0, $0xb8;
	[tilespmem:$0x1B400] =	vst v63  }
0x47: {  	s16 =	simm.s32 $0x8400  }
0x48: {  	[tilespmem:s16], [sflag:$0x1] =	stream.indirect_vreg.gather [hbm4b:s5+s2], $0x80, v3, vm0, $0xb8;
	[tilespmem:$0x1B400] =	vst v63  }
0x49: {  	s17 =	simm.s32 $0x8C00  }
0x4a: {  	[tilespmem:s17], [sflag:$0x1] =	stream.indirect_vreg.gather [hbm4b:s6+s2], $0x80, v3, vm0, $0xb8;
	[tilespmem:$0x1B400] =	vst v63  }
0x4b: {  	v3 =	vld [tilespmem:$0x20];
	_ =	sdelay $0x4  }
0x4c: {  	v62 =	vshrl.u32 v3, $0x3  }
0x4d: {  	v4 =	vmul.u32 $0x30, v62  }
0x4e: {  	v3 =	vand.u32 $0x7, v3  }
0x4f: {  	v3 =	vor.u32 v3, v4  }
0x50: {  	v4 =	vperm.xlane v3, v0;
	_ =	sdelay $0x1  }
0x51: {  	v4 =	vadd.s32 v1, v4;
	_ =	sdelay $0x3  }
0x52: {  	s16 =	simm.s32 $0x9400;
	v3 =	vperm.xlane v3, v2  }
0x53: {  	[tilespmem:s16], [sflag:$0x1] =	stream.indirect_vreg.gather [hbm4b:s3+s2], $0x80, v4, vm0, $0xb8;
	[tilespmem:$0x1B400] =	vst v63  }
0x54: {  	s17 =	simm.s32 $0x9C00;
	v3 =	vadd.s32 v1, v3  }
0x55: {  	[tilespmem:s17], [sflag:$0x1] =	stream.indirect_vreg.gather [hbm4b:s5+s2], $0x80, v4, vm0, $0xb8;
	[tilespmem:$0x1B400] =	vst v63  }
0x56: {  	s16 =	simm.s32 $0xA400  }
0x57: {  	[tilespmem:s16], [sflag:$0x1] =	stream.indirect_vreg.gather [hbm4b:s6+s2], $0x80, v4, vm0, $0xb8;
	[tilespmem:$0x1B400] =	vst v63  }
0x58: {  	s17 =	simm.s32 $0xAC00  }
0x59: {  	[tilespmem:s17], [sflag:$0x1] =	stream.indirect_vreg.gather [hbm4b:s3+s2], $0x80, v3, vm0, $0xb8;
	[tilespmem:$0x1B400] =	vst v63  }
0x5a: {  	s16 =	simm.s32 $0xB400  }
0x5b: {  	[tilespmem:s16], [sflag:$0x1] =	stream.indirect_vreg.gather [hbm4b:s5+s2], $0x80, v3, vm0, $0xb8;
	[tilespmem:$0x1B400] =	vst v63  }
0x5c: {  	s17 =	simm.s32 $0xBC00  }
0x5d: {  	[tilespmem:s17], [sflag:$0x1] =	stream.indirect_vreg.gather [hbm4b:s6+s2], $0x80, v3, vm0, $0xb8;
	[tilespmem:$0x1B400] =	vst v63  }
0x5e: {  	v3 =	vld [tilespmem:$0x30];
	_ =	sdelay $0x4  }
0x5f: {  	v63 =	vshrl.u32 v3, $0x3  }
0x60: {  	v4 =	vmul.u32 $0x30, v63  }
0x61: {  	v3 =	vand.u32 $0x7, v3  }
0x62: {  	v3 =	vor.u32 v3, v4  }
0x63: {  	v4 =	vperm.xlane v3, v0;
	_ =	sdelay $0x1  }
0x64: {  	v4 =	vadd.s32 v1, v4;
	_ =	sdelay $0x3  }
0x65: {  	s16 =	simm.s32 $0xC400;
	v3 =	vperm.xlane v3, v2  }
0x66: {  	[tilespmem:s16], [sflag:$0x1] =	stream.indirect_vreg.gather [hbm4b:s3+s2], $0x80, v4, vm0, $0xb8;
	[tilespmem:$0x1B400] =	vst v63  }
0x67: {  	s17 =	simm.s32 $0xCC00;
	v3 =	vadd.s32 v1, v3  }
0x68: {  	[tilespmem:s17], [sflag:$0x1] =	stream.indirect_vreg.gather [hbm4b:s5+s2], $0x80, v4, vm0, $0xb8;
	[tilespmem:$0x1B400] =	vst v63  }
0x69: {  	s16 =	simm.s32 $0xD400  }
0x6a: {  	[tilespmem:s16], [sflag:$0x1] =	stream.indirect_vreg.gather [hbm4b:s6+s2], $0x80, v4, vm0, $0xb8;
	[tilespmem:$0x1B400] =	vst v63  }
0x6b: {  	s17 =	simm.s32 $0xDC00  }
0x6c: {  	[tilespmem:s17], [sflag:$0x1] =	stream.indirect_vreg.gather [hbm4b:s3+s2], $0x80, v3, vm0, $0xb8;
	[tilespmem:$0x1B400] =	vst v63  }
.Ltmp2:
0x6d: {  	_ = 	snop;
	(pc) =	sbr.rel .LBB2_2-.Ltmp2, $4  }
0x6e: {  	s16 =	simm.s32 $0xE400  }
0x6f: {  	[tilespmem:s16], [sflag:$0x1] =	stream.indirect_vreg.gather [hbm4b:s5+s2], $0x80, v3, vm0, $0xb8;
	[tilespmem:$0x1B400] =	vst v63  }
0x70: {  	s15 =	simm.s32 $0xA0;
	s17 =	simm.s32 $0xEC00;
	s16 =	simm.s32 $0x0  }
0x71: {  	[tilespmem:s17], [sflag:$0x1] =	stream.indirect_vreg.gather [hbm4b:s6+s2], $0x80, v3, vm0, $0xb8;
	[tilespmem:$0x1B400] =	vst v63  }
.LBB2_4:
0x72: {  	s17 =	sadd.s32 s16, s8;
	s16 =	sadd.s32 $0x3000, s16  }
0x73: {  	p0 =	sne.s32 s16, $0x96000  }
.Ltmp3:
0x74: {  	_ = 	snop;
	(pc) =	sbr.rel @!p0 .LBB2_5-.Ltmp3, $4  }
0x75: {  	_ =	swait.ge [sflag:s13], $0xC000  }
0x76: {  	[sflag:s13] =	ssyncset.done $0x0  }
0x77: {  	s15 =	sadd.s32 $0x100, s15;
	[sflag:s13] =	ssyncadd.s32 $0xFFFF4000  }
0x78: {  	[hbm4b:s17+s2] =	stream.linear.scatter [tilespmem:s10], [sflag:$0x4], $0xC000, $0x38;
	[tilespmem:$0x1B400] =	vst v63  }
.LBB2_2:
0x79: {  	p0 =	seq.s32 s16, $0x0  }
0x7a: {  	s17 =	simm.s32 @!p0 $0x4  }
0x7b: {  	_ =	swait.ge @!p0 [sflag:s17], $0xC000  }
0x7c: {  	[sflag:s17] =	ssyncset.done @!p0 $0x0  }
0x7d: {  	[sflag:s17] =	ssyncadd.s32 @!p0 $0xFFFF4000  }
0x7e: {  	v3 =	vld [tilespmem:s15+$0xFFFFFFE0];
	_ =	sdelay $0x4  }
0x7f: {  	v4 =	vshrl.u32 v3, $0x3  }
0x80: {  	v4 =	vmul.u32 $0x30, v4  }
0x81: {  	v3 =	vand.u32 $0x7, v3  }
0x82: {  	v3 =	vor.u32 v3, v4  }
0x83: {  	v4 =	vperm.xlane v3, v0;
	_ =	sdelay $0x1  }
0x84: {  	v4 =	vadd.s32 v1, v4;
	_ =	sdelay $0x3  }
0x85: {  	v3 =	vperm.xlane v3, v2  }
0x86: {  	[tilespmem:s10], [sflag:$0x2] =	stream.indirect_vreg.gather [hbm4b:s3+s2], $0x80, v4, vm0, $0xb8;
	[tilespmem:$0x1B400] =	vst v63  }
0x87: {  	s17 =	simm.s32 $0xFC00;
	v3 =	vadd.s32 v1, v3  }
0x88: {  	[tilespmem:s17], [sflag:$0x2] =	stream.indirect_vreg.gather [hbm4b:s5+s2], $0x80, v4, vm0, $0xb8;
	[tilespmem:$0x1B400] =	vst v63  }
0x89: {  	s17 =	simm.s32 $0x10400  }
0x8a: {  	[tilespmem:s17], [sflag:$0x2] =	stream.indirect_vreg.gather [hbm4b:s6+s2], $0x80, v4, vm0, $0xb8;
	[tilespmem:$0x1B400] =	vst v63  }
0x8b: {  	s17 =	simm.s32 $0x10C00  }
0x8c: {  	[tilespmem:s17], [sflag:$0x2] =	stream.indirect_vreg.gather [hbm4b:s3+s2], $0x80, v3, vm0, $0xb8;
	[tilespmem:$0x1B400] =	vst v63  }
0x8d: {  	s17 =	simm.s32 $0x11400  }
0x8e: {  	[tilespmem:s17], [sflag:$0x2] =	stream.indirect_vreg.gather [hbm4b:s5+s2], $0x80, v3, vm0, $0xb8;
	[tilespmem:$0x1B400] =	vst v63  }
0x8f: {  	s17 =	simm.s32 $0x11C00  }
0x90: {  	[tilespmem:s17], [sflag:$0x2] =	stream.indirect_vreg.gather [hbm4b:s6+s2], $0x80, v3, vm0, $0xb8;
	[tilespmem:$0x1B400] =	vst v63  }
0x91: {  	v3 =	vld [tilespmem:s15+$0xFFFFFFF0];
	_ =	sdelay $0x4  }
0x92: {  	v61 =	vshrl.u32 v3, $0x3  }
0x93: {  	v4 =	vmul.u32 $0x30, v61  }
0x94: {  	v3 =	vand.u32 $0x7, v3  }
0x95: {  	v3 =	vor.u32 v3, v4  }
0x96: {  	v4 =	vperm.xlane v3, v0;
	_ =	sdelay $0x1  }
0x97: {  	v4 =	vadd.s32 v1, v4;
	_ =	sdelay $0x3  }
0x98: {  	s17 =	simm.s32 $0x12400;
	v3 =	vperm.xlane v3, v2  }
0x99: {  	[tilespmem:s17], [sflag:$0x2] =	stream.indirect_vreg.gather [hbm4b:s3+s2], $0x80, v4, vm0, $0xb8;
	[tilespmem:$0x1B400] =	vst v63  }
0x9a: {  	v3 =	vadd.s32 v1, v3  }
0x9b: {  	[tilespmem:s18], [sflag:$0x2] =	stream.indirect_vreg.gather [hbm4b:s5+s2], $0x80, v4, vm0, $0xb8;
	[tilespmem:$0x1B400] =	vst v63  }
0x9c: {  	_ = 	snop  }
0x9d: {  	[tilespmem:s19], [sflag:$0x2] =	stream.indirect_vreg.gather [hbm4b:s6+s2], $0x80, v4, vm0, $0xb8;
	[tilespmem:$0x1B400] =	vst v63  }
0x9e: {  	_ = 	snop  }
0x9f: {  	[tilespmem:s20], [sflag:$0x2] =	stream.indirect_vreg.gather [hbm4b:s3+s2], $0x80, v3, vm0, $0xb8;
	[tilespmem:$0x1B400] =	vst v63  }
0xa0: {  	_ = 	snop  }
0xa1: {  	[tilespmem:s21], [sflag:$0x2] =	stream.indirect_vreg.gather [hbm4b:s5+s2], $0x80, v3, vm0, $0xb8;
	[tilespmem:$0x1B400] =	vst v63  }
0xa2: {  	_ = 	snop  }
0xa3: {  	[tilespmem:s22], [sflag:$0x2] =	stream.indirect_vreg.gather [hbm4b:s6+s2], $0x80, v3, vm0, $0xb8;
	[tilespmem:$0x1B400] =	vst v63  }
0xa4: {  	v3 =	vld [tilespmem:s15+$0x0];
	_ =	sdelay $0x4  }
0xa5: {  	v62 =	vshrl.u32 v3, $0x3  }
0xa6: {  	v4 =	vmul.u32 $0x30, v62  }
0xa7: {  	v3 =	vand.u32 $0x7, v3  }
0xa8: {  	v3 =	vor.u32 v3, v4  }
0xa9: {  	v4 =	vperm.xlane v3, v0;
	_ =	sdelay $0x1  }
0xaa: {  	v4 =	vadd.s32 v1, v4;
	_ =	sdelay $0x3  }
0xab: {  	v3 =	vperm.xlane v3, v2  }
0xac: {  	[tilespmem:s23], [sflag:$0x2] =	stream.indirect_vreg.gather [hbm4b:s3+s2], $0x80, v4, vm0, $0xb8;
	[tilespmem:$0x1B400] =	vst v63  }
0xad: {  	v3 =	vadd.s32 v1, v3  }
0xae: {  	[tilespmem:s24], [sflag:$0x2] =	stream.indirect_vreg.gather [hbm4b:s5+s2], $0x80, v4, vm0, $0xb8;
	[tilespmem:$0x1B400] =	vst v63  }
0xaf: {  	_ = 	snop  }
0xb0: {  	[tilespmem:s25], [sflag:$0x2] =	stream.indirect_vreg.gather [hbm4b:s6+s2], $0x80, v4, vm0, $0xb8;
	[tilespmem:$0x1B400] =	vst v63  }
0xb1: {  	_ = 	snop  }
0xb2: {  	[tilespmem:s26], [sflag:$0x2] =	stream.indirect_vreg.gather [hbm4b:s3+s2], $0x80, v3, vm0, $0xb8;
	[tilespmem:$0x1B400] =	vst v63  }
0xb3: {  	_ = 	snop  }
0xb4: {  	[tilespmem:s28], [sflag:$0x2] =	stream.indirect_vreg.gather [hbm4b:s5+s2], $0x80, v3, vm0, $0xb8;
	[tilespmem:$0x1B400] =	vst v63  }
0xb5: {  	_ = 	snop  }
0xb6: {  	[tilespmem:s29], [sflag:$0x2] =	stream.indirect_vreg.gather [hbm4b:s6+s2], $0x80, v3, vm0, $0xb8;
	[tilespmem:$0x1B400] =	vst v63  }
0xb7: {  	v3 =	vld [tilespmem:s15+$0x10];
	_ =	sdelay $0x4  }
0xb8: {  	v63 =	vshrl.u32 v3, $0x3  }
0xb9: {  	v4 =	vmul.u32 $0x30, v63  }
0xba: {  	v3 =	vand.u32 $0x7, v3  }
0xbb: {  	v3 =	vor.u32 v3, v4  }
0xbc: {  	v4 =	vperm.xlane v3, v0;
	_ =	sdelay $0x1  }
0xbd: {  	v4 =	vadd.s32 v1, v4;
	_ =	sdelay $0x3  }
0xbe: {  	v3 =	vperm.xlane v3, v2  }
0xbf: {  	[tilespmem:s30], [sflag:$0x2] =	stream.indirect_vreg.gather [hbm4b:s3+s2], $0x80, v4, vm0, $0xb8;
	[tilespmem:$0x1B400] =	vst v63  }
0xc0: {  	v3 =	vadd.s32 v1, v3  }
0xc1: {  	[tilespmem:s31], [sflag:$0x2] =	stream.indirect_vreg.gather [hbm4b:s5+s2], $0x80, v4, vm0, $0xb8;
	[tilespmem:$0x1B400] =	vst v63  }
0xc2: {  	_ = 	snop  }
0xc3: {  	[tilespmem:s1], [sflag:$0x2] =	stream.indirect_vreg.gather [hbm4b:s6+s2], $0x80, v4, vm0, $0xb8;
	[tilespmem:$0x1B400] =	vst v63  }
0xc4: {  	_ = 	snop  }
0xc5: {  	[tilespmem:s0], [sflag:$0x2] =	stream.indirect_vreg.gather [hbm4b:s3+s2], $0x80, v3, vm0, $0xb8;
	[tilespmem:$0x1B400] =	vst v63  }
0xc6: {  	_ = 	snop  }
0xc7: {  	[tilespmem:s4], [sflag:$0x2] =	stream.indirect_vreg.gather [hbm4b:s5+s2], $0x80, v3, vm0, $0xb8;
	[tilespmem:$0x1B400] =	vst v63  }
0xc8: {  	p0 =	seq.s32 s16, $0x93000  }
0xc9: {  	[tilespmem:s7], [sflag:$0x2] =	stream.indirect_vreg.gather [hbm4b:s6+s2], $0x80, v3, vm0, $0xb8;
	[tilespmem:$0x1B400] =	vst v63  }
.Ltmp4:
0xca: {  	_ = 	snop;
	(pc) =	sbr.rel @p0 .LBB2_4-.Ltmp4, $4  }
0xcb: {  	_ =	swait.ge [sflag:s12], $0xC000  }
0xcc: {  	[sflag:s12] =	ssyncset.done $0x0  }
0xcd: {  	s17 =	sadd.s32 s16, s9;
	[sflag:s12] =	ssyncadd.s32 $0xFFFF4000  }
0xce: {  	[hbm4b:s17+s2] =	stream.linear.scatter [tilespmem:s11], [sflag:$0x3], $0xC000, $0x38;
	[tilespmem:$0x1B400] =	vst v63  }
0xcf: {  	_ =	swait.ge [sflag:s14], $0xC000  }
0xd0: {  	[sflag:s14] =	ssyncset.done $0x0  }
0xd1: {  	[sflag:s14] =	ssyncadd.s32 $0xFFFF4000  }
0xd2: {  	v3 =	vld [tilespmem:s15+$0x60];
	_ =	sdelay $0x4  }
0xd3: {  	v4 =	vshrl.u32 v3, $0x3  }
0xd4: {  	v4 =	vmul.u32 $0x30, v4  }
0xd5: {  	v3 =	vand.u32 $0x7, v3  }
0xd6: {  	v3 =	vor.u32 v3, v4  }
0xd7: {  	v4 =	vperm.xlane v3, v0;
	_ =	sdelay $0x1  }
0xd8: {  	v4 =	vadd.s32 v1, v4;
	_ =	sdelay $0x3  }
0xd9: {  	v3 =	vperm.xlane v3, v2  }
0xda: {  	[tilespmem:s11], [sflag:$0x1] =	stream.indirect_vreg.gather [hbm4b:s3+s2], $0x80, v4, vm0, $0xb8;
	[tilespmem:$0x1B400] =	vst v63  }
0xdb: {  	s17 =	simm.s32 $0x3C00;
	v3 =	vadd.s32 v1, v3  }
0xdc: {  	[tilespmem:s17], [sflag:$0x1] =	stream.indirect_vreg.gather [hbm4b:s5+s2], $0x80, v4, vm0, $0xb8;
	[tilespmem:$0x1B400] =	vst v63  }
0xdd: {  	s17 =	simm.s32 $0x4400  }
0xde: {  	[tilespmem:s17], [sflag:$0x1] =	stream.indirect_vreg.gather [hbm4b:s6+s2], $0x80, v4, vm0, $0xb8;
	[tilespmem:$0x1B400] =	vst v63  }
0xdf: {  	s17 =	simm.s32 $0x4C00  }
0xe0: {  	[tilespmem:s17], [sflag:$0x1] =	stream.indirect_vreg.gather [hbm4b:s3+s2], $0x80, v3, vm0, $0xb8;
	[tilespmem:$0x1B400] =	vst v63  }
0xe1: {  	s17 =	simm.s32 $0x5400  }
0xe2: {  	[tilespmem:s17], [sflag:$0x1] =	stream.indirect_vreg.gather [hbm4b:s5+s2], $0x80, v3, vm0, $0xb8;
	[tilespmem:$0x1B400] =	vst v63  }
0xe3: {  	s17 =	simm.s32 $0x5C00  }
0xe4: {  	[tilespmem:s17], [sflag:$0x1] =	stream.indirect_vreg.gather [hbm4b:s6+s2], $0x80, v3, vm0, $0xb8;
	[tilespmem:$0x1B400] =	vst v63  }
0xe5: {  	v3 =	vld [tilespmem:s15+$0x70];
	_ =	sdelay $0x4  }
0xe6: {  	v61 =	vshrl.u32 v3, $0x3  }
0xe7: {  	v4 =	vmul.u32 $0x30, v61  }
0xe8: {  	v3 =	vand.u32 $0x7, v3  }
0xe9: {  	v3 =	vor.u32 v3, v4  }
0xea: {  	v4 =	vperm.xlane v3, v0;
	_ =	sdelay $0x1  }
0xeb: {  	v4 =	vadd.s32 v1, v4;
	_ =	sdelay $0x3  }
0xec: {  	s17 =	simm.s32 $0x6400;
	v3 =	vperm.xlane v3, v2  }
0xed: {  	[tilespmem:s17], [sflag:$0x1] =	stream.indirect_vreg.gather [hbm4b:s3+s2], $0x80, v4, vm0, $0xb8;
	[tilespmem:$0x1B400] =	vst v63  }
0xee: {  	v3 =	vadd.s32 v1, v3;
	s17 =	simm.s32 $0x6C00  }
0xef: {  	[tilespmem:s17], [sflag:$0x1] =	stream.indirect_vreg.gather [hbm4b:s5+s2], $0x80, v4, vm0, $0xb8;
	[tilespmem:$0x1B400] =	vst v63  }
0xf0: {  	s17 =	simm.s32 $0x7400  }
0xf1: {  	[tilespmem:s17], [sflag:$0x1] =	stream.indirect_vreg.gather [hbm4b:s6+s2], $0x80, v4, vm0, $0xb8;
	[tilespmem:$0x1B400] =	vst v63  }
0xf2: {  	s17 =	simm.s32 $0x7C00  }
0xf3: {  	[tilespmem:s17], [sflag:$0x1] =	stream.indirect_vreg.gather [hbm4b:s3+s2], $0x80, v3, vm0, $0xb8;
	[tilespmem:$0x1B400] =	vst v63  }
0xf4: {  	s17 =	simm.s32 $0x8400  }
0xf5: {  	[tilespmem:s17], [sflag:$0x1] =	stream.indirect_vreg.gather [hbm4b:s5+s2], $0x80, v3, vm0, $0xb8;
	[tilespmem:$0x1B400] =	vst v63  }
0xf6: {  	s17 =	simm.s32 $0x8C00  }
0xf7: {  	[tilespmem:s17], [sflag:$0x1] =	stream.indirect_vreg.gather [hbm4b:s6+s2], $0x80, v3, vm0, $0xb8;
	[tilespmem:$0x1B400] =	vst v63  }
0xf8: {  	v3 =	vld [tilespmem:s15+$0x80];
	_ =	sdelay $0x4  }
0xf9: {  	v62 =	vshrl.u32 v3, $0x3  }
0xfa: {  	v4 =	vmul.u32 $0x30, v62  }
0xfb: {  	v3 =	vand.u32 $0x7, v3  }
0xfc: {  	v3 =	vor.u32 v3, v4  }
0xfd: {  	v4 =	vperm.xlane v3, v0;
	_ =	sdelay $0x1  }
0xfe: {  	v4 =	vadd.s32 v1, v4;
	_ =	sdelay $0x3  }
0xff: {  	s17 =	simm.s32 $0x9400;
	v3 =	vperm.xlane v3, v2  }
0x100: {  	[tilespmem:s17], [sflag:$0x1] =	stream.indirect_vreg.gather [hbm4b:s3+s2], $0x80, v4, vm0, $0xb8;
	[tilespmem:$0x1B400] =	vst v63  }
0x101: {  	v3 =	vadd.s32 v1, v3;
	s17 =	simm.s32 $0x9C00  }
0x102: {  	[tilespmem:s17], [sflag:$0x1] =	stream.indirect_vreg.gather [hbm4b:s5+s2], $0x80, v4, vm0, $0xb8;
	[tilespmem:$0x1B400] =	vst v63  }
0x103: {  	s17 =	simm.s32 $0xA400  }
0x104: {  	[tilespmem:s17], [sflag:$0x1] =	stream.indirect_vreg.gather [hbm4b:s6+s2], $0x80, v4, vm0, $0xb8;
	[tilespmem:$0x1B400] =	vst v63  }
0x105: {  	s17 =	simm.s32 $0xAC00  }
0x106: {  	[tilespmem:s17], [sflag:$0x1] =	stream.indirect_vreg.gather [hbm4b:s3+s2], $0x80, v3, vm0, $0xb8;
	[tilespmem:$0x1B400] =	vst v63  }
0x107: {  	s17 =	simm.s32 $0xB400  }
0x108: {  	[tilespmem:s17], [sflag:$0x1] =	stream.indirect_vreg.gather [hbm4b:s5+s2], $0x80, v3, vm0, $0xb8;
	[tilespmem:$0x1B400] =	vst v63  }
0x109: {  	s17 =	simm.s32 $0xBC00  }
0x10a: {  	[tilespmem:s17], [sflag:$0x1] =	stream.indirect_vreg.gather [hbm4b:s6+s2], $0x80, v3, vm0, $0xb8;
	[tilespmem:$0x1B400] =	vst v63  }
0x10b: {  	v3 =	vld [tilespmem:s15+$0x90];
	_ =	sdelay $0x4  }
0x10c: {  	v63 =	vshrl.u32 v3, $0x3  }
0x10d: {  	v4 =	vmul.u32 $0x30, v63  }
0x10e: {  	v3 =	vand.u32 $0x7, v3  }
0x10f: {  	v3 =	vor.u32 v3, v4  }
0x110: {  	v4 =	vperm.xlane v3, v0;
	_ =	sdelay $0x1  }
0x111: {  	v4 =	vadd.s32 v1, v4;
	_ =	sdelay $0x3  }
0x112: {  	s17 =	simm.s32 $0xC400;
	v3 =	vperm.xlane v3, v2  }
0x113: {  	[tilespmem:s17], [sflag:$0x1] =	stream.indirect_vreg.gather [hbm4b:s3+s2], $0x80, v4, vm0, $0xb8;
	[tilespmem:$0x1B400] =	vst v63  }
0x114: {  	v3 =	vadd.s32 v1, v3;
	s17 =	simm.s32 $0xCC00  }
0x115: {  	[tilespmem:s17], [sflag:$0x1] =	stream.indirect_vreg.gather [hbm4b:s5+s2], $0x80, v4, vm0, $0xb8;
	[tilespmem:$0x1B400] =	vst v63  }
0x116: {  	s17 =	simm.s32 $0xD400  }
0x117: {  	[tilespmem:s17], [sflag:$0x1] =	stream.indirect_vreg.gather [hbm4b:s6+s2], $0x80, v4, vm0, $0xb8;
	[tilespmem:$0x1B400] =	vst v63  }
0x118: {  	s17 =	simm.s32 $0xDC00  }
0x119: {  	[tilespmem:s17], [sflag:$0x1] =	stream.indirect_vreg.gather [hbm4b:s3+s2], $0x80, v3, vm0, $0xb8;
	[tilespmem:$0x1B400] =	vst v63  }
.Ltmp5:
0x11a: {  	_ = 	snop;
	(pc) =	sbr.rel .LBB2_4-.Ltmp5, $4  }
0x11b: {  	s17 =	simm.s32 $0xE400  }
0x11c: {  	[tilespmem:s17], [sflag:$0x1] =	stream.indirect_vreg.gather [hbm4b:s5+s2], $0x80, v3, vm0, $0xb8;
	[tilespmem:$0x1B400] =	vst v63  }
0x11d: {  	s17 =	simm.s32 $0xEC00  }
0x11e: {  	[tilespmem:s17], [sflag:$0x1] =	stream.indirect_vreg.gather [hbm4b:s6+s2], $0x80, v3, vm0, $0xb8;
	[tilespmem:$0x1B400] =	vst v63  }
.LBB2_6:
0x11f: {  	_ =	sfence.sel $0x180000  }
0x120: {  	[bflag:$0x0] =	sbarrier.arrive $0xFFFF  }
0x121: {  	_ =	strace $0x90000047  }
0x122: {  	s0 =	stileid.u32;
	[bflag:$0x2] =	sbarrier.arrive $0xFFFF  }
0x123: {  	p0 =	sne.s32 s0, $0x0;
	s0 =	rddreg [dreg:$0x2]  }
0x124: {  	s0 =	sadd.s32 @!p0 $0x100000, s0  }
0x125: {  	[sflag:s0] =	ssyncadd.tile.s32 @!p0 $0x1;
	_ =	shalt  }
.Lfunc_end2:
_tile_overlayer_lowered:
.L_overlay_start_2:
0x126: {  	(tag) =	ssettag $0x2  }
0x127: {  	s0 =	rddreg [dreg:$0x0];
	s2 =	stileid.u32  }
0x128: {  	s1 =	rddreg [dreg:$0x1];
	p0 =	sne.s32 s2, $0x0  }
0x129: {  	s3 =	rddreg [dreg:$0x2];
	[bflag:$0x3] =	sbarrier.arrive $0xFFFF;
	s2 =	simm.s32 @!p0 $0x1C05  }
0x12a: {  	[timem:s3], [sflag:s2] =	dma.local @!p0 [hbm:s0], s1  }
0x12b: {  	s0 =	simm.s32 @!p0 $0x5  }
0x12c: {  	_ =	swait.ge @!p0 [sflag:s0], s1  }
0x12d: {  	s1 =	ssub.s32 @!p0 $0x0, s1;
	[sflag:s0] =	ssyncset.done @!p0 $0x0  }
0x12e: {  	[sflag:s0] =	ssyncadd.s32 @!p0 s1  }
0x12f: {  	[bflag:$0x3] =	sbarrier.arrive $0xFFFF  }
0x130: {  	_ =	shalt  }

</sc_bundles>
